<compile_context>
chip_gen: v7x
topology: tpu7x:2x2x1
jax: 0.10.2.dev20260603
libtpu: 0.0.44.dev20260713+nightly
codegen_flags: <defaults>
</compile_context>

<pallas_src>
import jax
import jax.numpy as jnp
from jax import lax
from jax.experimental import pallas as pl
from jax.experimental.pallas import tpu as pltpu
from jax.experimental.pallas import tpu_sc as plsc

N = 10000
E = 320000
D = 128

NC = 2
NS = 16
NW = NC * NS
CHUNK = 128
CHUNKS = 79
EPW = CHUNKS * CHUNK
E_PAD = NW * EPW
N_PAD = 10112
ROWS_PER_SUB = N_PAD // NS


def _sc_scatter_body(h_hbm, src_hbm, dst_hbm, zeros_hbm, out_hbm,
                     src_v0, src_v1, dst_v0, dst_v1, rows_v0, rows_v1,
                     agg, gsem, ssem0, ssem1, isem0, isem1):
    c = lax.axis_index("c")
    s = lax.axis_index("s")
    wid = s * NC + c

    row0 = s * ROWS_PER_SUB
    pltpu.sync_copy(zeros_hbm, agg.at[pl.ds(row0, ROWS_PER_SUB)])
    plsc.subcore_barrier()

    ebase = wid * EPW
    bufs = ((src_v0, dst_v0, rows_v0, ssem0, isem0),
            (src_v1, dst_v1, rows_v1, ssem1, isem1))

    dummy = E_PAD - CHUNK
    for b, (sv, dv, rv, ssem, isem) in enumerate(bufs):
        pltpu.sync_copy(dst_hbm.at[pl.ds(dummy, CHUNK)], dv)
        pltpu.sync_copy(zeros_hbm.at[pl.ds(0, CHUNK)], rv)
        pltpu.async_copy(rv, agg.at[dv], ssem, add=True)
        pltpu.async_copy(src_hbm.at[pl.ds(ebase + b * CHUNK, CHUNK)], sv,
                         isem)

    def step(k, sv, dv, rv, ssem, isem):
        off = ebase + k * CHUNK
        pltpu.make_async_copy(src_hbm.at[pl.ds(off, CHUNK)], sv,
                              isem).wait()
        pltpu.make_async_copy(rv, agg.at[dv], ssem).wait()
        pltpu.sync_copy(dst_hbm.at[pl.ds(off, CHUNK)], dv)
        pltpu.async_copy(h_hbm.at[sv], rv, gsem).wait()
        pltpu.async_copy(rv, agg.at[dv], ssem, add=True)

        @pl.when(k + 2 < CHUNKS)
        def _():
            pltpu.async_copy(
                src_hbm.at[pl.ds(off + 2 * CHUNK, CHUNK)], sv, isem)

    def body(g, carry):
        for b, buf in enumerate(bufs):
            step(g * 2 + b, *buf)
        return carry

    lax.fori_loop(0, CHUNKS // 2, body, 0)
    step(CHUNKS - 1, *bufs[0])
    for (sv, dv, rv, ssem, isem) in bufs:
        pltpu.make_async_copy(rv, agg.at[dv], ssem).wait()
    plsc.subcore_barrier()

    pltpu.sync_copy(agg.at[pl.ds(row0, ROWS_PER_SUB)],
                    out_hbm.at[c, pl.ds(row0, ROWS_PER_SUB)])


@jax.jit
def _sc_scatter(h, src_pad, dst_pad, zeros_blk):
    mesh = plsc.VectorSubcoreMesh(core_axis_name="c", subcore_axis_name="s")
    f = pl.kernel(
        _sc_scatter_body,
        out_type=jax.ShapeDtypeStruct((NC, N_PAD, D), jnp.float32),
        mesh=mesh,
        scratch_types=[
            pltpu.VMEM((CHUNK,), jnp.int32),
            pltpu.VMEM((CHUNK,), jnp.int32),
            pltpu.VMEM((CHUNK,), jnp.int32),
            pltpu.VMEM((CHUNK,), jnp.int32),
            pltpu.VMEM((CHUNK, D), jnp.float32),
            pltpu.VMEM((CHUNK, D), jnp.float32),
            pltpu.VMEM_SHARED((N_PAD, D), jnp.float32),
            pltpu.SemaphoreType.DMA,
            pltpu.SemaphoreType.DMA,
            pltpu.SemaphoreType.DMA,
            pltpu.SemaphoreType.DMA,
            pltpu.SemaphoreType.DMA,
        ],
    )
    return f(h, src_pad, dst_pad, zeros_blk)


_EPS = 1e-5
_PREC = None


def _bn_relu(y, g, b):
    m = jnp.mean(y, axis=0, keepdims=True)
    v = jnp.mean((y - m) ** 2, axis=0, keepdims=True)
    return jnp.maximum(g * (y - m) * lax.rsqrt(v + _EPS) + b, 0.0)


def _mlp(h, w1, b1, g1, be1, w2, b2, g2, be2):
    y = jnp.dot(h, w1, preferred_element_type=jnp.float32, precision=_PREC) + b1
    y = _bn_relu(y, g1, be1)
    y = jnp.dot(y, w2, preferred_element_type=jnp.float32, precision=_PREC) + b2
    return _bn_relu(y, g2, be2)


def _mlp1_body(x_ref, p0_ref, p1_ref,
               w1_ref, b1_ref, g1_ref, be1_ref,
               w2_ref, b2_ref, g2_ref, be2_ref, out_ref):
    h = x_ref[...] + p0_ref[:N] + p1_ref[:N]
    out_ref[...] = _mlp(h, w1_ref[...], b1_ref[...], g1_ref[...], be1_ref[...],
                        w2_ref[...], b2_ref[...], g2_ref[...], be2_ref[...])


def _mlp2_body(h1_ref, p0_ref, p1_ref,
               w1_ref, b1_ref, g1_ref, be1_ref,
               w2_ref, b2_ref, g2_ref, be2_ref,
               wa_ref, wb_ref, lb_ref, out_ref):
    h1 = h1_ref[...]
    h = h1 + p0_ref[:N] + p1_ref[:N]
    h2 = _mlp(h, w1_ref[...], b1_ref[...], g1_ref[...], be1_ref[...],
              w2_ref[...], b2_ref[...], g2_ref[...], be2_ref[...])
    out_ref[...] = (
        jnp.dot(h1, wa_ref[...], preferred_element_type=jnp.float32,
                precision=_PREC)
        + jnp.dot(h2, wb_ref[...], preferred_element_type=jnp.float32,
                  precision=_PREC)
        + lb_ref[...])


def _vmem_specs(n):
    return [pl.BlockSpec(memory_space=pltpu.VMEM) for _ in range(n)]


def _mlp1(x, parts, p):
    return pl.pallas_call(
        _mlp1_body,
        out_shape=jax.ShapeDtypeStruct((N, D), jnp.float32),
        in_specs=_vmem_specs(11),
        out_specs=pl.BlockSpec(memory_space=pltpu.VMEM),
    )(x, parts[0], parts[1],
      p["w1"], p["b1"].reshape(1, D), p["g1"].reshape(1, D),
      p["be1"].reshape(1, D),
      p["w2"], p["b2"].reshape(1, D), p["g2"].reshape(1, D),
      p["be2"].reshape(1, D))


def _mlp2(h1, parts, p, lin_w, lin_b):
    return pl.pallas_call(
        _mlp2_body,
        out_shape=jax.ShapeDtypeStruct((N, D), jnp.float32),
        in_specs=_vmem_specs(14),
        out_specs=pl.BlockSpec(memory_space=pltpu.VMEM),
    )(h1, parts[0], parts[1],
      p["w1"], p["b1"].reshape(1, D), p["g1"].reshape(1, D),
      p["be1"].reshape(1, D),
      p["w2"], p["b2"].reshape(1, D), p["g2"].reshape(1, D),
      p["be2"].reshape(1, D),
      lin_w[:D], lin_w[D:], lin_b.reshape(1, D))


def kernel(x, edge_index, params):
    src = edge_index[0]
    dst = edge_index[1]
    pad = E_PAD - E
    src_pad = jnp.concatenate([src, jnp.zeros((pad,), jnp.int32)])
    dst_pad = jnp.concatenate([dst, jnp.full((pad,), N, jnp.int32)])
    zeros_blk = jnp.zeros((ROWS_PER_SUB, D), jnp.float32)

    parts1 = _sc_scatter(x, src_pad, dst_pad, zeros_blk)
    h1 = _mlp1(x, parts1, params["conv1"])
    parts2 = _sc_scatter(h1, src_pad, dst_pad, zeros_blk)
    return _mlp2(h1, parts2, params["conv2"], params["lin_w"], params["lin_b"])

# --- scband reference (transcript-rebuilt; emitter-appended) ---
"""Pipeline reference for scband-block-40364102648000 (READ-ONLY COPY).

The authoritative reference and input builder live on the scoring server;
editing this copy changes nothing except your own understanding.
"""

import jax, jax.numpy as jnp
import numpy as np

N = 10000
E = 320000
D = 128


def _mlp_params(key, din, dh):
    k1, k2 = jax.random.split(key)
    return {
        "w1": jax.random.normal(k1, (din, dh), jnp.float32) * (1.0 / np.sqrt(din)),
        "b1": jnp.zeros((dh,), jnp.float32),
        "g1": jnp.ones((dh,), jnp.float32),
        "be1": jnp.zeros((dh,), jnp.float32),
        "w2": jax.random.normal(k2, (dh, dh), jnp.float32) * (1.0 / np.sqrt(dh)),
        "b2": jnp.zeros((dh,), jnp.float32),
        "g2": jnp.ones((dh,), jnp.float32),
        "be2": jnp.zeros((dh,), jnp.float32),
    }


def setup_inputs(seed: int = 0) -> dict:
    key = jax.random.key(seed)
    ks = jax.random.split(key, 6)
    x = jax.random.normal(ks[0], (N, D), jnp.float32)
    edge_index = jax.random.randint(ks[1], (2, E), 0, N, dtype=jnp.int32)
    params = {
        "conv1": _mlp_params(ks[2], D, D),
        "conv2": _mlp_params(ks[3], D, D),
        "lin_w": jax.random.normal(ks[4], (2 * D, D), jnp.float32) * (1.0 / np.sqrt(2 * D)),
        "lin_b": jnp.zeros((D,), jnp.float32),
    }
    return {"x": x, "edge_index": edge_index, "params": params}


def _bn(x, g, b, eps=1e-5):
    m = jnp.mean(x, axis=0, keepdims=True)
    v = jnp.var(x, axis=0, keepdims=True)
    return g * (x - m) / jnp.sqrt(v + eps) + b


def _gin_conv(x, edge_index, p):
    # GINConv with default eps=0: nn((1+eps)*x + sum_{j in N(i)} x_j)
    src = edge_index[0]
    dst = edge_index[1]
    agg = jnp.zeros_like(x).at[dst].add(x[src])
    h = x + agg
    h = jax.nn.relu(_bn(h @ p["w1"] + p["b1"], p["g1"], p["be1"]))
    h = jax.nn.relu(_bn(h @ p["w2"] + p["b2"], p["g2"], p["be2"]))
    return h


def reference(x, edge_index, params):
    h1 = _gin_conv(x, edge_index, params["conv1"])
    h2 = _gin_conv(h1, edge_index, params["conv2"])
    # JumpingKnowledge mode='cat' over res[1:]
    cat = jnp.concatenate([h1, h2], axis=1)
    return cat @ params["lin_w"] + params["lin_b"]

if __name__ == "__main__":
    import jax
    _d = setup_inputs()
    print(jax.jit(kernel)(*tuple(_d.values())))

</pallas_src>

<mosaic_0001>
#map = affine_map<(d0, d1) -> (0, 0)>
#map1 = affine_map<(d0, d1) -> (0)>
#map2 = affine_map<(d0, d1) -> (0, 0, 0)>
module attributes {stable_mosaic.version = 14 : i64} {
  func.func @_sc_scatter_body(%arg0: i32, %arg1: i32, %arg2: memref<10000x128xf32, #tpu.memory_space<hbm>>, %arg3: memref<323584xi32, #tpu.memory_space<hbm>>, %arg4: memref<323584xi32, #tpu.memory_space<hbm>>, %arg5: memref<632x128xf32, #tpu.memory_space<hbm>>, %arg6: memref<2x10112x128xf32, #tpu.memory_space<hbm>>, %arg7: memref<128xi32, #tpu.memory_space<vmem>>, %arg8: memref<128xi32, #tpu.memory_space<vmem>>, %arg9: memref<128xi32, #tpu.memory_space<vmem>>, %arg10: memref<128xi32, #tpu.memory_space<vmem>>, %arg11: memref<128x128xf32, #tpu.memory_space<vmem>>, %arg12: memref<128x128xf32, #tpu.memory_space<vmem>>, %arg13: memref<10112x128xf32, #tpu.memory_space<vmem_shared>>, %arg14: memref<!tpu.dma_semaphore, #tpu.memory_space<semaphore_mem>>, %arg15: memref<!tpu.dma_semaphore, #tpu.memory_space<semaphore_mem>>, %arg16: memref<!tpu.dma_semaphore, #tpu.memory_space<semaphore_mem>>, %arg17: memref<!tpu.dma_semaphore, #tpu.memory_space<semaphore_mem>>, %arg18: memref<!tpu.dma_semaphore, #tpu.memory_space<semaphore_mem>>) attributes {dimension_semantics = [#tpu.dimension_semantics<core_parallel>, #tpu.dimension_semantics<subcore_parallel>], iteration_bounds = array<i64: 2, 16>, scalar_prefetch = 0 : i64, scratch_operands = 12 : i64, tpu.core_type = #tpu.core_type<sc_vector_subcore>, window_params = [{transform_indices = #map}, {transform_indices = #map1}, {transform_indices = #map1}, {transform_indices = #map}, {transform_indices = #map2}]} {
    %mul3A = arith.constant 2 : i32
    %mul3A_0 = arith.muli %arg1, %mul3A : i32
    %add3A = arith.addi %mul3A_0, %arg0 : i32
    %mul3A_1 = arith.constant 632 : i32
    %mul3A_2 = arith.muli %arg1, %mul3A_1 : i32
    "tpu.region"() ({
      %run_scoped3A = tpu.sem_alloc : memref<!tpu.dma_semaphore, #tpu.memory_space<semaphore_mem>>
      %dma_start3A_45 = arith.constant 0 : i32
      %dma_start3A_46 = tpu.memref_slice %arg13[%mul3A_2, %dma_start3A_45] : memref<10112x128xf32, #tpu.memory_space<vmem_shared>> -> memref<632x128xf32, #tpu.memory_space<vmem_shared>>
      tpu.enqueue_dma source(%arg5 : memref<632x128xf32, #tpu.memory_space<hbm>>) target(%dma_start3A_46 : memref<632x128xf32, #tpu.memory_space<vmem_shared>>) target_semaphore(%run_scoped3A : memref<!tpu.dma_semaphore, #tpu.memory_space<semaphore_mem>>)
      %dma_wait3A_47 = arith.constant 0 : i32
      %dma_wait3A_48 = tpu.memref_slice %arg13[%mul3A_2, %dma_wait3A_47] : memref<10112x128xf32, #tpu.memory_space<vmem_shared>> -> memref<632x128xf32, #tpu.memory_space<vmem_shared>>
      tpu.wait_dma2 semaphore(%run_scoped3A : memref<!tpu.dma_semaphore, #tpu.memory_space<semaphore_mem>>) src(%arg5 : memref<632x128xf32, #tpu.memory_space<hbm>>) dst(%dma_wait3A_48 : memref<632x128xf32, #tpu.memory_space<vmem_shared>>)
      tpu.yield
    }) : () -> ()
    %barrier3A = arith.constant 0 : index
    tpu.barrier barrier_id(%barrier3A)
    %mul3A_3 = arith.constant 10112 : i32
    %mul3A_4 = arith.muli %add3A, %mul3A_3 : i32
    "tpu.region"() ({
      %run_scoped3A = tpu.sem_alloc : memref<!tpu.dma_semaphore, #tpu.memory_space<semaphore_mem>>
      %dma_start3A_45 = arith.constant 323456 : i32
      %dma_start3A_46 = tpu.memref_slice %arg4[%dma_start3A_45] : memref<323584xi32, #tpu.memory_space<hbm>> -> memref<128xi32, #tpu.memory_space<hbm>>
      %dma_start3A_47 = arith.constant 323456 : i32
      %dma_start3A_48 = tpu.memref_slice %arg4[%dma_start3A_47] : memref<323584xi32, #tpu.memory_space<hbm>> -> memref<128xi32, #tpu.memory_space<hbm>>
      tpu.enqueue_dma source(%dma_start3A_48 : memref<128xi32, #tpu.memory_space<hbm>>) target(%arg9 : memref<128xi32, #tpu.memory_space<vmem>>) target_semaphore(%run_scoped3A : memref<!tpu.dma_semaphore, #tpu.memory_space<semaphore_mem>>)
      %dma_wait3A_49 = arith.constant 323456 : i32
      %dma_wait3A_50 = tpu.memref_slice %arg4[%dma_wait3A_49] : memref<323584xi32, #tpu.memory_space<hbm>> -> memref<128xi32, #tpu.memory_space<hbm>>
      %dma_wait3A_51 = arith.constant 323456 : i32
      %dma_wait3A_52 = tpu.memref_slice %arg4[%dma_wait3A_51] : memref<323584xi32, #tpu.memory_space<hbm>> -> memref<128xi32, #tpu.memory_space<hbm>>
      tpu.wait_dma2 semaphore(%run_scoped3A : memref<!tpu.dma_semaphore, #tpu.memory_space<semaphore_mem>>) src(%dma_wait3A_52 : memref<128xi32, #tpu.memory_space<hbm>>) dst(%arg9 : memref<128xi32, #tpu.memory_space<vmem>>)
      tpu.yield
    }) : () -> ()
    "tpu.region"() ({
      %run_scoped3A = tpu.sem_alloc : memref<!tpu.dma_semaphore, #tpu.memory_space<semaphore_mem>>
      %dma_start3A_45 = arith.constant 0 : i32
      %dma_start3A_46 = arith.constant 0 : i32
      %dma_start3A_47 = tpu.memref_slice %arg5[%dma_start3A_45, %dma_start3A_46] : memref<632x128xf32, #tpu.memory_space<hbm>> -> memref<128x128xf32, #tpu.memory_space<hbm>>
      %dma_start3A_48 = arith.constant 0 : i32
      %dma_start3A_49 = arith.constant 0 : i32
      %dma_start3A_50 = tpu.memref_slice %arg5[%dma_start3A_48, %dma_start3A_49] : memref<632x128xf32, #tpu.memory_space<hbm>> -> memref<128x128xf32, #tpu.memory_space<hbm>>
      tpu.enqueue_dma source(%dma_start3A_50 : memref<128x128xf32, #tpu.memory_space<hbm>>) target(%arg11 : memref<128x128xf32, #tpu.memory_space<vmem>>) target_semaphore(%run_scoped3A : memref<!tpu.dma_semaphore, #tpu.memory_space<semaphore_mem>>)
      %dma_wait3A_51 = arith.constant 0 : i32
      %dma_wait3A_52 = arith.constant 0 : i32
      %dma_wait3A_53 = tpu.memref_slice %arg5[%dma_wait3A_51, %dma_wait3A_52] : memref<632x128xf32, #tpu.memory_space<hbm>> -> memref<128x128xf32, #tpu.memory_space<hbm>>
      %dma_wait3A_54 = arith.constant 0 : i32
      %dma_wait3A_55 = arith.constant 0 : i32
      %dma_wait3A_56 = tpu.memref_slice %arg5[%dma_wait3A_54, %dma_wait3A_55] : memref<632x128xf32, #tpu.memory_space<hbm>> -> memref<128x128xf32, #tpu.memory_space<hbm>>
      tpu.wait_dma2 semaphore(%run_scoped3A : memref<!tpu.dma_semaphore, #tpu.memory_space<semaphore_mem>>) src(%dma_wait3A_56 : memref<128x128xf32, #tpu.memory_space<hbm>>) dst(%arg11 : memref<128x128xf32, #tpu.memory_space<vmem>>)
      tpu.yield
    }) : () -> ()
    %dma_start3A = arith.constant 0 : i32
    %dma_start3A_5 = arith.constant 0 : i32
    %dma_start3A_6 = tpu.memref_slice %arg13[%dma_start3A, %dma_start3A_5] : memref<10112x128xf32, #tpu.memory_space<vmem_shared>> -> memref<10112x128xf32, #tpu.memory_space<vmem_shared>>
    tpu.enqueue_indirect_dma source(%arg11 : memref<128x128xf32, #tpu.memory_space<vmem>>) target(%dma_start3A_6 : memref<10112x128xf32, #tpu.memory_space<vmem_shared>>) offsets(%arg9 : memref<128xi32, #tpu.memory_space<vmem>>) semaphore(%arg15 : memref<!tpu.dma_semaphore, #tpu.memory_space<semaphore_mem>>) {add = true}
    %add3A_7 = arith.constant 0 : i32
    %add3A_8 = arith.addi %mul3A_4, %add3A_7 : i32
    %dma_start3A_9 = tpu.memref_slice %arg3[%add3A_8] : memref<323584xi32, #tpu.memory_space<hbm>> -> memref<128xi32, #tpu.memory_space<hbm>>
    %dma_start3A_10 = tpu.memref_slice %arg3[%add3A_8] : memref<323584xi32, #tpu.memory_space<hbm>> -> memref<128xi32, #tpu.memory_space<hbm>>
    tpu.enqueue_dma source(%dma_start3A_10 : memref<128xi32, #tpu.memory_space<hbm>>) target(%arg7 : memref<128xi32, #tpu.memory_space<vmem>>) target_semaphore(%arg17 : memref<!tpu.dma_semaphore, #tpu.memory_space<semaphore_mem>>)
    "tpu.region"() ({
      %run_scoped3A = tpu.sem_alloc : memref<!tpu.dma_semaphore, #tpu.memory_space<semaphore_mem>>
      %dma_start3A_45 = arith.constant 323456 : i32
      %dma_start3A_46 = tpu.memref_slice %arg4[%dma_start3A_45] : memref<323584xi32, #tpu.memory_space<hbm>> -> memref<128xi32, #tpu.memory_space<hbm>>
      %dma_start3A_47 = arith.constant 323456 : i32
      %dma_start3A_48 = tpu.memref_slice %arg4[%dma_start3A_47] : memref<323584xi32, #tpu.memory_space<hbm>> -> memref<128xi32, #tpu.memory_space<hbm>>
      tpu.enqueue_dma source(%dma_start3A_48 : memref<128xi32, #tpu.memory_space<hbm>>) target(%arg10 : memref<128xi32, #tpu.memory_space<vmem>>) target_semaphore(%run_scoped3A : memref<!tpu.dma_semaphore, #tpu.memory_space<semaphore_mem>>)
      %dma_wait3A_49 = arith.constant 323456 : i32
      %dma_wait3A_50 = tpu.memref_slice %arg4[%dma_wait3A_49] : memref<323584xi32, #tpu.memory_space<hbm>> -> memref<128xi32, #tpu.memory_space<hbm>>
      %dma_wait3A_51 = arith.constant 323456 : i32
      %dma_wait3A_52 = tpu.memref_slice %arg4[%dma_wait3A_51] : memref<323584xi32, #tpu.memory_space<hbm>> -> memref<128xi32, #tpu.memory_space<hbm>>
      tpu.wait_dma2 semaphore(%run_scoped3A : memref<!tpu.dma_semaphore, #tpu.memory_space<semaphore_mem>>) src(%dma_wait3A_52 : memref<128xi32, #tpu.memory_space<hbm>>) dst(%arg10 : memref<128xi32, #tpu.memory_space<vmem>>)
      tpu.yield
    }) : () -> ()
    "tpu.region"() ({
      %run_scoped3A = tpu.sem_alloc : memref<!tpu.dma_semaphore, #tpu.memory_space<semaphore_mem>>
      %dma_start3A_45 = arith.constant 0 : i32
      %dma_start3A_46 = arith.constant 0 : i32
      %dma_start3A_47 = tpu.memref_slice %arg5[%dma_start3A_45, %dma_start3A_46] : memref<632x128xf32, #tpu.memory_space<hbm>> -> memref<128x128xf32, #tpu.memory_space<hbm>>
      %dma_start3A_48 = arith.constant 0 : i32
      %dma_start3A_49 = arith.constant 0 : i32
      %dma_start3A_50 = tpu.memref_slice %arg5[%dma_start3A_48, %dma_start3A_49] : memref<632x128xf32, #tpu.memory_space<hbm>> -> memref<128x128xf32, #tpu.memory_space<hbm>>
      tpu.enqueue_dma source(%dma_start3A_50 : memref<128x128xf32, #tpu.memory_space<hbm>>) target(%arg12 : memref<128x128xf32, #tpu.memory_space<vmem>>) target_semaphore(%run_scoped3A : memref<!tpu.dma_semaphore, #tpu.memory_space<semaphore_mem>>)
      %dma_wait3A_51 = arith.constant 0 : i32
      %dma_wait3A_52 = arith.constant 0 : i32
      %dma_wait3A_53 = tpu.memref_slice %arg5[%dma_wait3A_51, %dma_wait3A_52] : memref<632x128xf32, #tpu.memory_space<hbm>> -> memref<128x128xf32, #tpu.memory_space<hbm>>
      %dma_wait3A_54 = arith.constant 0 : i32
      %dma_wait3A_55 = arith.constant 0 : i32
      %dma_wait3A_56 = tpu.memref_slice %arg5[%dma_wait3A_54, %dma_wait3A_55] : memref<632x128xf32, #tpu.memory_space<hbm>> -> memref<128x128xf32, #tpu.memory_space<hbm>>
      tpu.wait_dma2 semaphore(%run_scoped3A : memref<!tpu.dma_semaphore, #tpu.memory_space<semaphore_mem>>) src(%dma_wait3A_56 : memref<128x128xf32, #tpu.memory_space<hbm>>) dst(%arg12 : memref<128x128xf32, #tpu.memory_space<vmem>>)
      tpu.yield
    }) : () -> ()
    %dma_start3A_11 = arith.constant 0 : i32
    %dma_start3A_12 = arith.constant 0 : i32
    %dma_start3A_13 = tpu.memref_slice %arg13[%dma_start3A_11, %dma_start3A_12] : memref<10112x128xf32, #tpu.memory_space<vmem_shared>> -> memref<10112x128xf32, #tpu.memory_space<vmem_shared>>
    tpu.enqueue_indirect_dma source(%arg12 : memref<128x128xf32, #tpu.memory_space<vmem>>) target(%dma_start3A_13 : memref<10112x128xf32, #tpu.memory_space<vmem_shared>>) offsets(%arg10 : memref<128xi32, #tpu.memory_space<vmem>>) semaphore(%arg16 : memref<!tpu.dma_semaphore, #tpu.memory_space<semaphore_mem>>) {add = true}
    %add3A_14 = arith.constant 128 : i32
    %add3A_15 = arith.addi %mul3A_4, %add3A_14 : i32
    %dma_start3A_16 = tpu.memref_slice %arg3[%add3A_15] : memref<323584xi32, #tpu.memory_space<hbm>> -> memref<128xi32, #tpu.memory_space<hbm>>
    %dma_start3A_17 = tpu.memref_slice %arg3[%add3A_15] : memref<323584xi32, #tpu.memory_space<hbm>> -> memref<128xi32, #tpu.memory_space<hbm>>
    tpu.enqueue_dma source(%dma_start3A_17 : memref<128xi32, #tpu.memory_space<hbm>>) target(%arg8 : memref<128xi32, #tpu.memory_space<vmem>>) target_semaphore(%arg18 : memref<!tpu.dma_semaphore, #tpu.memory_space<semaphore_mem>>)
    %scan3A = arith.constant 0 : i32
    %scan3A_18 = arith.constant 0 : i32
    %scan3A_19 = arith.constant 39 : i32
    %scan3A_20 = arith.addi %scan3A_18, %scan3A_19 : i32
    %scan3A_21 = arith.constant 1 : i32
    scf.for %scan3A_45 = %scan3A_18 to %scan3A_20 step %scan3A_21  : i32 {
      %mul3A_46 = arith.constant 2 : i32
      %mul3A_47 = arith.muli %scan3A_45, %mul3A_46 : i32
      %add3A_48 = arith.constant 0 : i32
      %add3A_49 = arith.addi %mul3A_47, %add3A_48 : i32
      %mul3A_50 = arith.constant 128 : i32
      %mul3A_51 = arith.muli %add3A_49, %mul3A_50 : i32
      %add3A_52 = arith.addi %mul3A_4, %mul3A_51 : i32
      %dma_wait3A_53 = tpu.memref_slice %arg3[%add3A_52] : memref<323584xi32, #tpu.memory_space<hbm>> -> memref<128xi32, #tpu.memory_space<hbm>>
      %dma_wait3A_54 = tpu.memref_slice %arg3[%add3A_52] : memref<323584xi32, #tpu.memory_space<hbm>> -> memref<128xi32, #tpu.memory_space<hbm>>
      tpu.wait_dma2 semaphore(%arg17 : memref<!tpu.dma_semaphore, #tpu.memory_space<semaphore_mem>>) src(%dma_wait3A_54 : memref<128xi32, #tpu.memory_space<hbm>>) dst(%arg7 : memref<128xi32, #tpu.memory_space<vmem>>)
      %dma_wait3A_55 = arith.constant 0 : i32
      %dma_wait3A_56 = arith.constant 0 : i32
      %dma_wait3A_57 = tpu.memref_slice %arg13[%dma_wait3A_55, %dma_wait3A_56] : memref<10112x128xf32, #tpu.memory_space<vmem_shared>> -> memref<10112x128xf32, #tpu.memory_space<vmem_shared>>
      tpu.wait_indirect_dma semaphore(%arg15 : memref<!tpu.dma_semaphore, #tpu.memory_space<semaphore_mem>>) src(%arg11 : memref<128x128xf32, #tpu.memory_space<vmem>>) dst(%dma_wait3A_57 : memref<10112x128xf32, #tpu.memory_space<vmem_shared>>)
      "tpu.region"() ({
        %run_scoped3A = tpu.sem_alloc : memref<!tpu.dma_semaphore, #tpu.memory_space<semaphore_mem>>
        %dma_start3A_99 = tpu.memref_slice %arg4[%add3A_52] : memref<323584xi32, #tpu.memory_space<hbm>> -> memref<128xi32, #tpu.memory_space<hbm>>
        %dma_start3A_100 = tpu.memref_slice %arg4[%add3A_52] : memref<323584xi32, #tpu.memory_space<hbm>> -> memref<128xi32, #tpu.memory_space<hbm>>
        tpu.enqueue_dma source(%dma_start3A_100 : memref<128xi32, #tpu.memory_space<hbm>>) target(%arg9 : memref<128xi32, #tpu.memory_space<vmem>>) target_semaphore(%run_scoped3A : memref<!tpu.dma_semaphore, #tpu.memory_space<semaphore_mem>>)
        %dma_wait3A_101 = tpu.memref_slice %arg4[%add3A_52] : memref<323584xi32, #tpu.memory_space<hbm>> -> memref<128xi32, #tpu.memory_space<hbm>>
        %dma_wait3A_102 = tpu.memref_slice %arg4[%add3A_52] : memref<323584xi32, #tpu.memory_space<hbm>> -> memref<128xi32, #tpu.memory_space<hbm>>
        tpu.wait_dma2 semaphore(%run_scoped3A : memref<!tpu.dma_semaphore, #tpu.memory_space<semaphore_mem>>) src(%dma_wait3A_102 : memref<128xi32, #tpu.memory_space<hbm>>) dst(%arg9 : memref<128xi32, #tpu.memory_space<vmem>>)
        tpu.yield
      }) : () -> ()
      %dma_start3A_58 = arith.constant 0 : i32
      %dma_start3A_59 = arith.constant 0 : i32
      %dma_start3A_60 = tpu.memref_slice %arg2[%dma_start3A_58, %dma_start3A_59] : memref<10000x128xf32, #tpu.memory_space<hbm>> -> memref<10000x128xf32, #tpu.memory_space<hbm>>
      tpu.enqueue_indirect_dma source(%dma_start3A_60 : memref<10000x128xf32, #tpu.memory_space<hbm>>) target(%arg11 : memref<128x128xf32, #tpu.memory_space<vmem>>) offsets(%arg7 : memref<128xi32, #tpu.memory_space<vmem>>) semaphore(%arg14 : memref<!tpu.dma_semaphore, #tpu.memory_space<semaphore_mem>>)
      %dma_wait3A_61 = arith.constant 0 : i32
      %dma_wait3A_62 = arith.constant 0 : i32
      %dma_wait3A_63 = tpu.memref_slice %arg2[%dma_wait3A_61, %dma_wait3A_62] : memref<10000x128xf32, #tpu.memory_space<hbm>> -> memref<10000x128xf32, #tpu.memory_space<hbm>>
      tpu.wait_indirect_dma semaphore(%arg14 : memref<!tpu.dma_semaphore, #tpu.memory_space<semaphore_mem>>) src(%dma_wait3A_63 : memref<10000x128xf32, #tpu.memory_space<hbm>>) dst(%arg11 : memref<128x128xf32, #tpu.memory_space<vmem>>)
      %dma_start3A_64 = arith.constant 0 : i32
      %dma_start3A_65 = arith.constant 0 : i32
      %dma_start3A_66 = tpu.memref_slice %arg13[%dma_start3A_64, %dma_start3A_65] : memref<10112x128xf32, #tpu.memory_space<vmem_shared>> -> memref<10112x128xf32, #tpu.memory_space<vmem_shared>>
      tpu.enqueue_indirect_dma source(%arg11 : memref<128x128xf32, #tpu.memory_space<vmem>>) target(%dma_start3A_66 : memref<10112x128xf32, #tpu.memory_space<vmem_shared>>) offsets(%arg9 : memref<128xi32, #tpu.memory_space<vmem>>) semaphore(%arg15 : memref<!tpu.dma_semaphore, #tpu.memory_space<semaphore_mem>>) {add = true}
      %add3A_67 = arith.constant 2 : i32
      %add3A_68 = arith.addi %add3A_49, %add3A_67 : i32
      %lt3A = arith.constant 79 : i32
      %lt3A_69 = arith.cmpi slt, %add3A_68, %lt3A : i32
      %convert_element_type3A = arith.extui %lt3A_69 : i1 to i32
      %cond3A = arith.constant 0 : i32
      %cond3A_70 = arith.cmpi ne, %convert_element_type3A, %cond3A : i32
      scf.if %cond3A_70 {
        %add3A_99 = arith.constant 256 : i32
        %add3A_100 = arith.addi %add3A_52, %add3A_99 : i32
        %dma_start3A_101 = tpu.memref_slice %arg3[%add3A_100] : memref<323584xi32, #tpu.memory_space<hbm>> -> memref<128xi32, #tpu.memory_space<hbm>>
        %dma_start3A_102 = tpu.memref_slice %arg3[%add3A_100] : memref<323584xi32, #tpu.memory_space<hbm>> -> memref<128xi32, #tpu.memory_space<hbm>>
        tpu.enqueue_dma source(%dma_start3A_102 : memref<128xi32, #tpu.memory_space<hbm>>) target(%arg7 : memref<128xi32, #tpu.memory_space<vmem>>) target_semaphore(%arg17 : memref<!tpu.dma_semaphore, #tpu.memory_space<semaphore_mem>>)
      } else {
      }
      %mul3A_71 = arith.constant 2 : i32
      %mul3A_72 = arith.muli %scan3A_45, %mul3A_71 : i32
      %add3A_73 = arith.constant 1 : i32
      %add3A_74 = arith.addi %mul3A_72, %add3A_73 : i32
      %mul3A_75 = arith.constant 128 : i32
      %mul3A_76 = arith.muli %add3A_74, %mul3A_75 : i32
      %add3A_77 = arith.addi %mul3A_4, %mul3A_76 : i32
      %dma_wait3A_78 = tpu.memref_slice %arg3[%add3A_77] : memref<323584xi32, #tpu.memory_space<hbm>> -> memref<128xi32, #tpu.memory_space<hbm>>
      %dma_wait3A_79 = tpu.memref_slice %arg3[%add3A_77] : memref<323584xi32, #tpu.memory_space<hbm>> -> memref<128xi32, #tpu.memory_space<hbm>>
      tpu.wait_dma2 semaphore(%arg18 : memref<!tpu.dma_semaphore, #tpu.memory_space<semaphore_mem>>) src(%dma_wait3A_79 : memref<128xi32, #tpu.memory_space<hbm>>) dst(%arg8 : memref<128xi32, #tpu.memory_space<vmem>>)
      %dma_wait3A_80 = arith.constant 0 : i32
      %dma_wait3A_81 = arith.constant 0 : i32
      %dma_wait3A_82 = tpu.memref_slice %arg13[%dma_wait3A_80, %dma_wait3A_81] : memref<10112x128xf32, #tpu.memory_space<vmem_shared>> -> memref<10112x128xf32, #tpu.memory_space<vmem_shared>>
      tpu.wait_indirect_dma semaphore(%arg16 : memref<!tpu.dma_semaphore, #tpu.memory_space<semaphore_mem>>) src(%arg12 : memref<128x128xf32, #tpu.memory_space<vmem>>) dst(%dma_wait3A_82 : memref<10112x128xf32, #tpu.memory_space<vmem_shared>>)
      "tpu.region"() ({
        %run_scoped3A = tpu.sem_alloc : memref<!tpu.dma_semaphore, #tpu.memory_space<semaphore_mem>>
        %dma_start3A_99 = tpu.memref_slice %arg4[%add3A_77] : memref<323584xi32, #tpu.memory_space<hbm>> -> memref<128xi32, #tpu.memory_space<hbm>>
        %dma_start3A_100 = tpu.memref_slice %arg4[%add3A_77] : memref<323584xi32, #tpu.memory_space<hbm>> -> memref<128xi32, #tpu.memory_space<hbm>>
        tpu.enqueue_dma source(%dma_start3A_100 : memref<128xi32, #tpu.memory_space<hbm>>) target(%arg10 : memref<128xi32, #tpu.memory_space<vmem>>) target_semaphore(%run_scoped3A : memref<!tpu.dma_semaphore, #tpu.memory_space<semaphore_mem>>)
        %dma_wait3A_101 = tpu.memref_slice %arg4[%add3A_77] : memref<323584xi32, #tpu.memory_space<hbm>> -> memref<128xi32, #tpu.memory_space<hbm>>
        %dma_wait3A_102 = tpu.memref_slice %arg4[%add3A_77] : memref<323584xi32, #tpu.memory_space<hbm>> -> memref<128xi32, #tpu.memory_space<hbm>>
        tpu.wait_dma2 semaphore(%run_scoped3A : memref<!tpu.dma_semaphore, #tpu.memory_space<semaphore_mem>>) src(%dma_wait3A_102 : memref<128xi32, #tpu.memory_space<hbm>>) dst(%arg10 : memref<128xi32, #tpu.memory_space<vmem>>)
        tpu.yield
      }) : () -> ()
      %dma_start3A_83 = arith.constant 0 : i32
      %dma_start3A_84 = arith.constant 0 : i32
      %dma_start3A_85 = tpu.memref_slice %arg2[%dma_start3A_83, %dma_start3A_84] : memref<10000x128xf32, #tpu.memory_space<hbm>> -> memref<10000x128xf32, #tpu.memory_space<hbm>>
      tpu.enqueue_indirect_dma source(%dma_start3A_85 : memref<10000x128xf32, #tpu.memory_space<hbm>>) target(%arg12 : memref<128x128xf32, #tpu.memory_space<vmem>>) offsets(%arg8 : memref<128xi32, #tpu.memory_space<vmem>>) semaphore(%arg14 : memref<!tpu.dma_semaphore, #tpu.memory_space<semaphore_mem>>)
      %dma_wait3A_86 = arith.constant 0 : i32
      %dma_wait3A_87 = arith.constant 0 : i32
      %dma_wait3A_88 = tpu.memref_slice %arg2[%dma_wait3A_86, %dma_wait3A_87] : memref<10000x128xf32, #tpu.memory_space<hbm>> -> memref<10000x128xf32, #tpu.memory_space<hbm>>
      tpu.wait_indirect_dma semaphore(%arg14 : memref<!tpu.dma_semaphore, #tpu.memory_space<semaphore_mem>>) src(%dma_wait3A_88 : memref<10000x128xf32, #tpu.memory_space<hbm>>) dst(%arg12 : memref<128x128xf32, #tpu.memory_space<vmem>>)
      %dma_start3A_89 = arith.constant 0 : i32
      %dma_start3A_90 = arith.constant 0 : i32
      %dma_start3A_91 = tpu.memref_slice %arg13[%dma_start3A_89, %dma_start3A_90] : memref<10112x128xf32, #tpu.memory_space<vmem_shared>> -> memref<10112x128xf32, #tpu.memory_space<vmem_shared>>
      tpu.enqueue_indirect_dma source(%arg12 : memref<128x128xf32, #tpu.memory_space<vmem>>) target(%dma_start3A_91 : memref<10112x128xf32, #tpu.memory_space<vmem_shared>>) offsets(%arg10 : memref<128xi32, #tpu.memory_space<vmem>>) semaphore(%arg16 : memref<!tpu.dma_semaphore, #tpu.memory_space<semaphore_mem>>) {add = true}
      %add3A_92 = arith.constant 2 : i32
      %add3A_93 = arith.addi %add3A_74, %add3A_92 : i32
      %lt3A_94 = arith.constant 79 : i32
      %lt3A_95 = arith.cmpi slt, %add3A_93, %lt3A_94 : i32
      %convert_element_type3A_96 = arith.extui %lt3A_95 : i1 to i32
      %cond3A_97 = arith.constant 0 : i32
      %cond3A_98 = arith.cmpi ne, %convert_element_type3A_96, %cond3A_97 : i32
      scf.if %cond3A_98 {
        %add3A_99 = arith.constant 256 : i32
        %add3A_100 = arith.addi %add3A_77, %add3A_99 : i32
        %dma_start3A_101 = tpu.memref_slice %arg3[%add3A_100] : memref<323584xi32, #tpu.memory_space<hbm>> -> memref<128xi32, #tpu.memory_space<hbm>>
        %dma_start3A_102 = tpu.memref_slice %arg3[%add3A_100] : memref<323584xi32, #tpu.memory_space<hbm>> -> memref<128xi32, #tpu.memory_space<hbm>>
        tpu.enqueue_dma source(%dma_start3A_102 : memref<128xi32, #tpu.memory_space<hbm>>) target(%arg8 : memref<128xi32, #tpu.memory_space<vmem>>) target_semaphore(%arg18 : memref<!tpu.dma_semaphore, #tpu.memory_space<semaphore_mem>>)
      } else {
      }
    }
    %scan3A_22 = arith.constant 39 : i32
    %add3A_23 = arith.constant 9984 : i32
    %add3A_24 = arith.addi %mul3A_4, %add3A_23 : i32
    %dma_wait3A = tpu.memref_slice %arg3[%add3A_24] : memref<323584xi32, #tpu.memory_space<hbm>> -> memref<128xi32, #tpu.memory_space<hbm>>
    %dma_wait3A_25 = tpu.memref_slice %arg3[%add3A_24] : memref<323584xi32, #tpu.memory_space<hbm>> -> memref<128xi32, #tpu.memory_space<hbm>>
    tpu.wait_dma2 semaphore(%arg17 : memref<!tpu.dma_semaphore, #tpu.memory_space<semaphore_mem>>) src(%dma_wait3A_25 : memref<128xi32, #tpu.memory_space<hbm>>) dst(%arg7 : memref<128xi32, #tpu.memory_space<vmem>>)
    %dma_wait3A_26 = arith.constant 0 : i32
    %dma_wait3A_27 = arith.constant 0 : i32
    %dma_wait3A_28 = tpu.memref_slice %arg13[%dma_wait3A_26, %dma_wait3A_27] : memref<10112x128xf32, #tpu.memory_space<vmem_shared>> -> memref<10112x128xf32, #tpu.memory_space<vmem_shared>>
    tpu.wait_indirect_dma semaphore(%arg15 : memref<!tpu.dma_semaphore, #tpu.memory_space<semaphore_mem>>) src(%arg11 : memref<128x128xf32, #tpu.memory_space<vmem>>) dst(%dma_wait3A_28 : memref<10112x128xf32, #tpu.memory_space<vmem_shared>>)
    "tpu.region"() ({
      %run_scoped3A = tpu.sem_alloc : memref<!tpu.dma_semaphore, #tpu.memory_space<semaphore_mem>>
      %dma_start3A_45 = tpu.memref_slice %arg4[%add3A_24] : memref<323584xi32, #tpu.memory_space<hbm>> -> memref<128xi32, #tpu.memory_space<hbm>>
      %dma_start3A_46 = tpu.memref_slice %arg4[%add3A_24] : memref<323584xi32, #tpu.memory_space<hbm>> -> memref<128xi32, #tpu.memory_space<hbm>>
      tpu.enqueue_dma source(%dma_start3A_46 : memref<128xi32, #tpu.memory_space<hbm>>) target(%arg9 : memref<128xi32, #tpu.memory_space<vmem>>) target_semaphore(%run_scoped3A : memref<!tpu.dma_semaphore, #tpu.memory_space<semaphore_mem>>)
      %dma_wait3A_47 = tpu.memref_slice %arg4[%add3A_24] : memref<323584xi32, #tpu.memory_space<hbm>> -> memref<128xi32, #tpu.memory_space<hbm>>
      %dma_wait3A_48 = tpu.memref_slice %arg4[%add3A_24] : memref<323584xi32, #tpu.memory_space<hbm>> -> memref<128xi32, #tpu.memory_space<hbm>>
      tpu.wait_dma2 semaphore(%run_scoped3A : memref<!tpu.dma_semaphore, #tpu.memory_space<semaphore_mem>>) src(%dma_wait3A_48 : memref<128xi32, #tpu.memory_space<hbm>>) dst(%arg9 : memref<128xi32, #tpu.memory_space<vmem>>)
      tpu.yield
    }) : () -> ()
    %dma_start3A_29 = arith.constant 0 : i32
    %dma_start3A_30 = arith.constant 0 : i32
    %dma_start3A_31 = tpu.memref_slice %arg2[%dma_start3A_29, %dma_start3A_30] : memref<10000x128xf32, #tpu.memory_space<hbm>> -> memref<10000x128xf32, #tpu.memory_space<hbm>>
    tpu.enqueue_indirect_dma source(%dma_start3A_31 : memref<10000x128xf32, #tpu.memory_space<hbm>>) target(%arg11 : memref<128x128xf32, #tpu.memory_space<vmem>>) offsets(%arg7 : memref<128xi32, #tpu.memory_space<vmem>>) semaphore(%arg14 : memref<!tpu.dma_semaphore, #tpu.memory_space<semaphore_mem>>)
    %dma_wait3A_32 = arith.constant 0 : i32
    %dma_wait3A_33 = arith.constant 0 : i32
    %dma_wait3A_34 = tpu.memref_slice %arg2[%dma_wait3A_32, %dma_wait3A_33] : memref<10000x128xf32, #tpu.memory_space<hbm>> -> memref<10000x128xf32, #tpu.memory_space<hbm>>
    tpu.wait_indirect_dma semaphore(%arg14 : memref<!tpu.dma_semaphore, #tpu.memory_space<semaphore_mem>>) src(%dma_wait3A_34 : memref<10000x128xf32, #tpu.memory_space<hbm>>) dst(%arg11 : memref<128x128xf32, #tpu.memory_space<vmem>>)
    %dma_start3A_35 = arith.constant 0 : i32
    %dma_start3A_36 = arith.constant 0 : i32
    %dma_start3A_37 = tpu.memref_slice %arg13[%dma_start3A_35, %dma_start3A_36] : memref<10112x128xf32, #tpu.memory_space<vmem_shared>> -> memref<10112x128xf32, #tpu.memory_space<vmem_shared>>
    tpu.enqueue_indirect_dma source(%arg11 : memref<128x128xf32, #tpu.memory_space<vmem>>) target(%dma_start3A_37 : memref<10112x128xf32, #tpu.memory_space<vmem_shared>>) offsets(%arg9 : memref<128xi32, #tpu.memory_space<vmem>>) semaphore(%arg15 : memref<!tpu.dma_semaphore, #tpu.memory_space<semaphore_mem>>) {add = true}
    %dma_wait3A_38 = arith.constant 0 : i32
    %dma_wait3A_39 = arith.constant 0 : i32
    %dma_wait3A_40 = tpu.memref_slice %arg13[%dma_wait3A_38, %dma_wait3A_39] : memref<10112x128xf32, #tpu.memory_space<vmem_shared>> -> memref<10112x128xf32, #tpu.memory_space<vmem_shared>>
    tpu.wait_indirect_dma semaphore(%arg15 : memref<!tpu.dma_semaphore, #tpu.memory_space<semaphore_mem>>) src(%arg11 : memref<128x128xf32, #tpu.memory_space<vmem>>) dst(%dma_wait3A_40 : memref<10112x128xf32, #tpu.memory_space<vmem_shared>>)
    %dma_wait3A_41 = arith.constant 0 : i32
    %dma_wait3A_42 = arith.constant 0 : i32
    %dma_wait3A_43 = tpu.memref_slice %arg13[%dma_wait3A_41, %dma_wait3A_42] : memref<10112x128xf32, #tpu.memory_space<vmem_shared>> -> memref<10112x128xf32, #tpu.memory_space<vmem_shared>>
    tpu.wait_indirect_dma semaphore(%arg16 : memref<!tpu.dma_semaphore, #tpu.memory_space<semaphore_mem>>) src(%arg12 : memref<128x128xf32, #tpu.memory_space<vmem>>) dst(%dma_wait3A_43 : memref<10112x128xf32, #tpu.memory_space<vmem_shared>>)
    %barrier3A_44 = arith.constant 0 : index
    tpu.barrier barrier_id(%barrier3A_44)
    "tpu.region"() ({
      %run_scoped3A = tpu.sem_alloc : memref<!tpu.dma_semaphore, #tpu.memory_space<semaphore_mem>>
      %dma_start3A_45 = arith.constant 0 : i32
      %dma_start3A_46 = tpu.memref_slice %arg6[%arg0, %mul3A_2, %dma_start3A_45] : memref<2x10112x128xf32, #tpu.memory_space<hbm>> -> memref<1x632x128xf32, #tpu.memory_space<hbm>>
      %dma_start3A_47 = tpu.memref_squeeze %dma_start3A_46 : memref<1x632x128xf32, #tpu.memory_space<hbm>> -> memref<632x128xf32, #tpu.memory_space<hbm>>
      %dma_start3A_48 = arith.constant 0 : i32
      %dma_start3A_49 = tpu.memref_slice %arg13[%mul3A_2, %dma_start3A_48] : memref<10112x128xf32, #tpu.memory_space<vmem_shared>> -> memref<632x128xf32, #tpu.memory_space<vmem_shared>>
      tpu.enqueue_dma source(%dma_start3A_49 : memref<632x128xf32, #tpu.memory_space<vmem_shared>>) target(%dma_start3A_47 : memref<632x128xf32, #tpu.memory_space<hbm>>) target_semaphore(%run_scoped3A : memref<!tpu.dma_semaphore, #tpu.memory_space<semaphore_mem>>)
      %dma_wait3A_50 = arith.constant 0 : i32
      %dma_wait3A_51 = tpu.memref_slice %arg6[%arg0, %mul3A_2, %dma_wait3A_50] : memref<2x10112x128xf32, #tpu.memory_space<hbm>> -> memref<1x632x128xf32, #tpu.memory_space<hbm>>
      %dma_wait3A_52 = tpu.memref_squeeze %dma_wait3A_51 : memref<1x632x128xf32, #tpu.memory_space<hbm>> -> memref<632x128xf32, #tpu.memory_space<hbm>>
      %dma_wait3A_53 = arith.constant 0 : i32
      %dma_wait3A_54 = tpu.memref_slice %arg13[%mul3A_2, %dma_wait3A_53] : memref<10112x128xf32, #tpu.memory_space<vmem_shared>> -> memref<632x128xf32, #tpu.memory_space<vmem_shared>>
      tpu.wait_dma2 semaphore(%run_scoped3A : memref<!tpu.dma_semaphore, #tpu.memory_space<semaphore_mem>>) src(%dma_wait3A_54 : memref<632x128xf32, #tpu.memory_space<vmem_shared>>) dst(%dma_wait3A_52 : memref<632x128xf32, #tpu.memory_space<hbm>>)
      tpu.yield
    }) : () -> ()
    return
  }
}

</mosaic_0001>

<sc_bundles>
// kernel: _sc_scatter.3.cloned.1.call-start
scs
__scs_entry_jumppad:
0x0: {  	(pc) =	sbr.rel $0x88, $3  }
0x1: {  	(tag) =	ssettag $0x0;
	lr =	simm.s32 $0x1  }
0x2: {  	[smem:$0x3F9D] =	sst lr;
	_ =	strace $0xD0000000  }
0x3: {  	_ = 	snop  }
0x4: {  	_ = 	snop  }
0x5: {  	_ = 	snop  }
0x6: {  	_ = 	snop  }
0x7: {  	_ = 	snop  }
__scs_overlays_trampoline_lowered:
0x8: {  	[smem:$0x3FAC] =	sst s0  }
0x9: {  	[smem:$0x3FAD] =	sst s1  }
0xa: {  	[smem:$0x3FAE] =	sst s2  }
0xb: {  	[smem:$0x3FAF] =	sst s3  }
0xc: {  	[smem:$0x3FB0] =	sst s4  }
0xd: {  	[smem:$0x3FB1] =	sst s5  }
0xe: {  	[smem:$0x3FB2] =	sst s6  }
0xf: {  	[smem:$0x3FB3] =	sst s7  }
0x10: {  	[smem:$0x3FB4] =	sst s8  }
0x11: {  	[smem:$0x3FB5] =	sst s9;
	s0 =	simm.s32 @!p0 $0x0  }
0x12: {  	s1 =	sld [smem:$0x3F9B];
	s0 =	simm.s32 @p0 $0x1  }
0x13: {  	[smem:$0x3FB6] =	sst s0;
	s0 =	simm.s32 @!p1 $0x0  }
0x14: {  	s2 =	sld [smem:$0x3F9A];
	s0 =	simm.s32 @p1 $0x1  }
0x15: {  	[smem:$0x3FB7] =	sst s0;
	s0 =	simm.s32 @!p2 $0x0  }
0x16: {  	s3 =	sld [smem:$0x3FDB];
	s0 =	simm.s32 @p2 $0x1  }
0x17: {  	s4 =	simm.s32 $0x1BF5;
	[smem:$0x3FB9] =	sst s0  }
0x18: {  	s0 =	sld [smem:$0x3F9C];
	_ =	swait.ge [sflag:s4], $0x0  }
0x19: {  	s7 =	sld [smem:$0x3F9D]  }
0x1a: {  	s8 =	sadd.s32 $0xFFFFE003, lr  }
0x1b: {  	s9 =	sadd.s32 $0xFFFFFEF7, lr;
	s5 =	simm.s32 $0xFFFFFFFF;
	p2 =	slt.u32 s8, $0xFFFFF086  }
0x1c: {  	p1 =	slt.u32 s9, $0xF7A;
	s5 =	simm.s32 @!p2 $0x0  }
0x1d: {  	s5 =	simm.s32 @p1 $0x1;
	p0 =	seq.s32 s7, s2  }
0x1e: {  	s7 =	smul.u32 @!p0 $0xF7A, s2;
	p2 =	seq.s32 @!p0 s5, $0x0  }
0x1f: {  	s9 =	smul.u32 $0xF7A, s1;
	s8 =	simm.s32 @!p0 $0x1BF5;
	p2 =	por !p2, p0  }
0x20: {  	[sflag:s8] =	ssyncset.s32 @!p0 $0xFFFFF086;
	s6 =	sadd.s32 @!p0 s3, s7;
	s7 =	simm.s32 @!p0 $0x108  }
0x21: {  	s3 =	sadd.s32 s3, s9;
	s6 =	sadd.s32 @!p0 $0x88, s6;
	s7 =	simm.s32 @p2 $0x1082  }
0x22: {  	[simem:s7], [sflag:s8] =	dma.local @!p0 [hbm:s6], $0xF7A  }
0x23: {  	s9 =	sor.u32 $0xD0000000, s2;
	s6 =	simm.s32 $0x108;
	_ =	swait.ge @!p0 [sflag:s8], $0x0  }
0x24: {  	s3 =	sadd.s32 $0x88, s3;
	s6 =	simm.s32 @!p1 $0x1082;
	[sflag:s4] =	ssyncset.s32 $0xFFFFF086  }
0x25: {  	[simem:s6], [sflag:s4] =	dma.local [hbm:s3], $0xF7A  }
0x26: {  	[smem:$0x3F9D] =	sst s1;
	(tag) =	ssettag s2;
	_ =	strace s9  }
0x27: {  	s1 =	sld [smem:$0x3FAD]  }
0x28: {  	s2 =	sld [smem:$0x3FAE]  }
0x29: {  	s4 =	sld [smem:$0x3FB0]  }
0x2a: {  	p0 =	seq.s32 s5, $0x0;
	s5 =	sld [smem:$0x3FB1]  }
0x2b: {  	s6 =	sld [smem:$0x3FB2]  }
0x2c: {  	s7 =	sld [smem:$0x3FB3]  }
0x2d: {  	s3 =	simm.s32 $0x108;
	s8 =	sld [smem:$0x3FB4]  }
0x2e: {  	s3 =	simm.s32 @!p0 $0x1082;
	s9 =	sld [smem:$0x3FB5]  }
0x2f: {  	lr =	sadd.s32 s0, s3;
	s0 =	sld [smem:$0x3FAC]  }
0x30: {  	s3 =	sld [smem:$0x3FAF]  }
0x31: {  	[smem:$0x3FB8] =	sst s10  }
0x32: {  	s10 =	sld [smem:$0x3FB6];
	_ =	sdelay $0x3  }
0x33: {  	p0 =	seq.s32 s10, $0x1;
	s10 =	sld [smem:$0x3FB8];
	_ =	sdelay $0x3  }
0x34: {  	[smem:$0x3FB8] =	sst s10  }
0x35: {  	s10 =	sld [smem:$0x3FB7];
	_ =	sdelay $0x3  }
0x36: {  	p1 =	seq.s32 s10, $0x1;
	s10 =	sld [smem:$0x3FB8];
	_ =	sdelay $0x3  }
0x37: {  	[smem:$0x3FB8] =	sst s10  }
0x38: {  	s10 =	sld [smem:$0x3FB9]  }
0x39: {  	_ = 	snop;
	(pc) =	sbr.ind lr, $3  }
0x3a: {  	_ = 	snop  }
0x3b: {  	_ = 	snop  }
0x3c: {  	p2 =	seq.s32 s10, $0x1;
	s10 =	sld [smem:$0x3FB8]  }
0x3d: {  	_ =	shalt  }
0x3e: {  	_ =	shalt  }
0x3f: {  	_ =	shalt  }
0x40: {  	_ =	shalt  }
0x41: {  	_ =	shalt  }
0x42: {  	_ =	shalt  }
0x43: {  	_ =	shalt  }
0x44: {  	_ =	shalt  }
0x45: {  	_ =	shalt  }
0x46: {  	_ =	shalt  }
0x47: {  	_ =	shalt  }
0x48: {  	_ =	shalt  }
0x49: {  	_ =	shalt  }
0x4a: {  	_ =	shalt  }
0x4b: {  	_ =	shalt  }
0x4c: {  	_ =	shalt  }
0x4d: {  	_ =	shalt  }
0x4e: {  	_ =	shalt  }
0x4f: {  	_ =	shalt  }
0x50: {  	_ =	shalt  }
0x51: {  	_ =	shalt  }
0x52: {  	_ =	shalt  }
0x53: {  	_ =	shalt  }
0x54: {  	_ =	shalt  }
0x55: {  	_ =	shalt  }
0x56: {  	_ =	shalt  }
0x57: {  	_ =	shalt  }
0x58: {  	_ =	shalt  }
0x59: {  	_ =	shalt  }
0x5a: {  	_ =	shalt  }
0x5b: {  	_ =	shalt  }
0x5c: {  	_ =	shalt  }
0x5d: {  	_ =	shalt  }
0x5e: {  	_ =	shalt  }
0x5f: {  	_ =	shalt  }
0x60: {  	_ =	shalt  }
0x61: {  	_ =	shalt  }
0x62: {  	_ =	shalt  }
0x63: {  	_ =	shalt  }
0x64: {  	_ =	shalt  }
0x65: {  	_ =	shalt  }
0x66: {  	_ =	shalt  }
0x67: {  	_ =	shalt  }
0x68: {  	_ =	shalt  }
0x69: {  	_ =	shalt  }
0x6a: {  	_ =	shalt  }
0x6b: {  	_ =	shalt  }
0x6c: {  	_ =	shalt  }
0x6d: {  	_ =	shalt  }
0x6e: {  	_ =	shalt  }
0x6f: {  	_ =	shalt  }
0x70: {  	_ =	shalt  }
0x71: {  	_ =	shalt  }
0x72: {  	_ =	shalt  }
0x73: {  	_ =	shalt  }
0x74: {  	_ =	shalt  }
0x75: {  	_ =	shalt  }
0x76: {  	_ =	shalt  }
0x77: {  	_ =	shalt  }
0x78: {  	_ =	shalt  }
0x79: {  	_ =	shalt  }
0x7a: {  	_ =	shalt  }
0x7b: {  	_ =	shalt  }
0x7c: {  	_ =	shalt  }
0x7d: {  	_ =	shalt  }
0x7e: {  	_ =	shalt  }
0x7f: {  	_ =	shalt  }
0x80: {  	_ =	shalt  }
0x81: {  	_ =	shalt  }
0x82: {  	_ =	shalt  }
0x83: {  	_ =	shalt  }
0x84: {  	_ =	shalt  }
0x85: {  	_ =	shalt  }
0x86: {  	_ =	shalt  }
0x87: {  	_ =	shalt  }
.Lfunc_end0:
.L_simem_size_0:
called_computation_lowered:
.L_overlay_start_0:
0x88: {  	s2 =	sld [smem:$0x3FD9]  }
0x89: {  	s3 =	sld [smem:$0x3FFE];
	_ =	sdelay $0x1  }
0x8a: {  	s1 =	srdreg.scid  }
0x8b: {  	s0 =	sand.u32 $0x1, s1  }
0x8c: {  	s18 =	sshll.u32 s0, $0xA;
	s2 =	sadd.s32 s3, s2  }
0x8d: {  	s2 =	sadd.s32 s2, s18  }
0x8e: {  	[smem:$0x3FC4] =	sst s2  }
0x8f: {  	_ = 	snop  }
0x90: {  	s2 =	sld [smem:$0x3FC9]  }
0x91: {  	s19 =	sld [smem:$0x3FC8]  }
0x92: {  	s4 =	sld [smem:$0x3FC7]  }
0x93: {  	s5 =	sld [smem:$0x3FC6]  }
0x94: {  	s6 =	sld [smem:$0x3FD0];
	(tm) =	ssettm $0x1  }
0x95: {  	s7 =	sld [smem:$0x3FFB];
	_ =	sdelay $0x3  }
0x96: {  	_ =	strace s7  }
0x97: {  	s7 =	sld [smem:$0x3FFC];
	_ =	sdelay $0x3  }
0x98: {  	_ =	strace s7  }
0x99: {  	s7 =	sld [smem:$0x3FFD];
	_ =	sdelay $0x3  }
0x9a: {  	_ =	strace s7  }
0x9b: {  	_ =	strace $0x8FFFFFFF  }
0x9c: {  	s20 =	sld [smem:$0x3FDB];
	_ =	sdelay $0x1  }
0x9d: {  	s8 =	simm.s32 $_scs_section_size  }
0x9e: {  	s9 =	simm.s32 $_size__tile_overlayer_lowered;
	s10 =	simm.s32 $_tile_overlayer_lowered  }
0x9f: {  	s23 =	simm.s32 $0x1BFF;
	s22 =	sshll.u32 s10, $0x1;
	s7 =	sadd.s32 s8, s20  }
0xa0: {  	s11 =	simm.s32 $0x0;
	s21 =	sshll.u32 s9, $0x1;
	s9 =	sadd.s32 s22, s7  }
0xa1: {  	[timem:s11], [sflag:s23] =	dma.local [hbm:s9], s21  }
0xa2: {  	_ =	swait.ge [sflag:s23], s21  }
0xa3: {  	s8 =	ssub.s32 $0x0, s21;
	[sflag:s23] =	ssyncset.done $0x0  }
0xa4: {  	[sflag:s23] =	ssyncadd.s32 s8;
	_ =	sdelay $0x1  }
0xa5: {  	s24 =	simm.s32 $0x1B8B  }
0xa6: {  	_ =	swait.ge [sflag:s24], $0x1  }
0xa7: {  	[sflag:s24] =	ssyncset.done $0x0  }
0xa8: {  	s25 =	simm.s32 $0x1B8E;
	[sflag:s24] =	ssyncadd.s32 $0xFFFFFFFF  }
0xa9: {  	s26 =	simm.s32 $execute0_lowered;
	[smem:$0x3FD2] =	sst s25  }
0xaa: {  	s8 =	sshll.u32 s26, $0x1;
	_ =	strace $0x80000046;
	[dreg:$0x1] =	wrdreg $0xFFFFFFFF  }
0xab: {  	s28 =	simm.s32 $_size_execute0_lowered;
	s7 =	sadd.s32 s7, s8;
	[dreg:$0x0] =	wrdreg $0x0  }
0xac: {  	s8 =	sshll.u32 s28, $0x1;
	[dreg:$0x2] =	wrdreg s7  }
0xad: {  	[dreg:$0x3] =	wrdreg s8  }
0xae: {  	[dreg:$0x4] =	wrdreg $0xC0  }
0xaf: {  	_ =	task [dreg:s11], $0x5FFFF  }
0xb0: {  	[dreg:$0x1] =	wrdreg $0xFFFFFFFF  }
0xb1: {  	[dreg:$0x0] =	wrdreg $0x60  }
0xb2: {  	[dreg:$0x2] =	wrdreg s2  }
0xb3: {  	[dreg:$0x3] =	wrdreg s19  }
0xb4: {  	[dreg:$0x4] =	wrdreg s4  }
0xb5: {  	[dreg:$0x5] =	wrdreg s5  }
0xb6: {  	[dreg:$0x6] =	wrdreg s6  }
0xb7: {  	[dreg:$0x7] =	wrdreg $0x82000  }
0xb8: {  	[dreg:$0x8] =	wrdreg $0x9  }
0xb9: {  	_ =	task.clear_ibuf [dreg:s11], $0x9FFFF;
	_ =	strace $0x90000046  }
0xba: {  	s29 =	simm.s32 $0x9;
	_ =	strace $0x80000048  }
0xbb: {  	_ =	swait.ge [sflag:s29], $0x1  }
0xbc: {  	[sflag:s29] =	ssyncadd.s32 $0xFFFFFFFF  }
0xbd: {  	_ =	strace $0x90000048  }
0xbe: {  	_ =	sfence  }
0xbf: {  	s30 =	sld [smem:$0x0];
	_ =	sdelay $0x2  }
0xc0: {  	s31 =	sshll.u32 s1, $0xD;
	s1 =	sshrl.u32 s1, $0x2  }
0xc1: {  	s3 =	sand.u32 $0x4000, s31;
	s1 =	sadd.s32 s1, s30  }
0xc2: {  	s0 =	sor.u32 s3, s0;
	s1 =	sshll.u32 s1, $0x11  }
0xc3: {  	s0 =	sor.u32 s1, s0  }
0xc4: {  	s0 =	sadd.s32 $0x8F2B, s0  }
0xc5: {  	[sflag:s0] =	ssyncadd.remote.s32 $0x1  }
0xc6: {  	_ =	sfence.sel $0xFFFF  }
0xc7: {  	[dreg:$0x0] =	wrdreg $0xFFFFFFFF;
	(pc) =	sbr.abs _section_cstart, $3  }
0xc8: {  	[dreg:$0x1] =	wrdreg $0xFFFFFFFF  }
0xc9: {  	_ =	task.clear_ibuf [dreg:s11], $0x2FFFF;
	_ =	strace $0x9FFFFFFF  }
0xca: {  	(tm) =	ssettm $0x7FFFFFFF  }
0xcb: {  	_ =	shalt  }
tec
execute0_lowered:
.L_overlay_start_1:
0x0: {  	(tag) =	ssettag $0x1  }
0x1: {  	s1 =	rddreg [dreg:$0x0]  }
0x2: {  	s2 =	rddreg [dreg:$0x1]  }
0x3: {  	s0 =	rddreg [dreg:$0x2]  }
0x4: {  	s3 =	rddreg [dreg:$0x3]  }
0x5: {  	s5 =	rddreg [dreg:$0x4]  }
0x6: {  	s4 =	rddreg [dreg:$0x5]  }
0x7: {  	s6 =	simm.s32 $0x0;
	s7 =	srdreg.scid;
	s15 =	stileid.u32  }
0x8: {  	s28 =	simm.s32 $0x4200;
	s29 =	simm.s32 $0x4;
	s30 =	simm.s32 $0x2  }
0x9: {  	s31 =	simm.s32 $0x1;
	[smem:$0x7FF] =	sst s6;
	s8 =	smul.u32 $0x4F000, s15  }
0xa: {  	s9 =	sand.u32 $0x1, s7;
	s17 =	sshll.u32 s15, $0x1;
	s14 =	smul.u32 $0x13C00, s15  }
0xb: {  	s18 =	sshll.u32 s15, $0x6;
	s15 =	smul.u32 $0x4F00, s15;
	_ =	strace $0x80000047  }
0xc: {  	s10 =	ssub.s32 $0x2, s9;
	s7 =	sor.u32 s9, s17;
	s12 =	smul.u32 $0x13C000, s9  }
0xd: {  	s9 =	smul.u32 $0x2780, s9;
	s11 =	sshrl.u32 s10, $0x1;
	s8 =	sshrl.u32 s8, $0x2  }
0xe: {  	s7 =	smul.u32 $0x2780, s7;
	s10 =	ssub.s32 s10, s11;
	s11 =	sadd.s32 s8, s4  }
0xf: {  	s8 =	sadd.s32 $0x9DF0, s0;
	s12 =	sadd.s32 s14, s12;
	s9 =	sadd.s32 s9, s15  }
0x10: {  	s13 =	sshrl.u32 s7, $0x3;
	s7 =	sor.u32 $0x1C06, s18;
	s12 =	sshrl.u32 s12, $0x3  }
0x11: {  	s10 =	smax.u32 s10, $0x1;
	s22 =	sadd.s32 $0x80, s9;
	s23 =	sadd.s32 $0x180, s9  }
0x12: {  	s26 =	sshrl.u32 s9, $0x3;
	s16 =	sadd.s32 s2, s13;
	s19 =	sadd.s32 $0x4E0, s13  }
0x13: {  	s5 =	sadd.s32 s5, s12;
	s21 =	sadd.s32 s0, s13;
	[dreg:$0xb] =	wrdreg s10  }
0x14: {  	s24 =	sshrl.u32 s22, $0x3;
	s25 =	sshrl.u32 s23, $0x3;
	s22 =	simm.s32 $0x6  }
0x15: {  	s23 =	simm.s32 $0x100;
	s10 =	simm.s32 $0x0;
	[dreg:$0x7] =	wrdreg s16  }
0x16: {  	s16 =	sadd.s32 $0x10, s16;
	s20 =	sadd.s32 s0, s19;
	[dreg:$0xa] =	wrdreg s5  }
0x17: {  	s14 =	sadd.s32 $0x4C0, s21;
	s15 =	sadd.s32 s2, s19;
	s17 =	sadd.s32 s24, s0  }
0x18: {  	s18 =	sadd.s32 s25, s2;
	s19 =	sadd.s32 s26, s0;
	s24 =	simm.s32 $0x200  }
0x19: {  	s25 =	simm.s32 $0x80;
	s26 =	simm.s32 $0x180;
	[dreg:$0x8] =	wrdreg s16  }
0x1a: {  	s0 =	simm.s32 $0x5;
	s5 =	simm.s32 $0x3;
	[dreg:$0x9] =	wrdreg s20  }
0x1b: {  	s16 =	sadd.s32 $0x4D0, s21;
	s20 =	sadd.s32 $0x100, s9;
	s21 =	sshrl.u32 s11, $0x3  }
.LBB2_1:
0x1c: {  	[spmem:s21], [sflag:s7] =	dma.local [hbm:s3], $0x2780  }
0x1d: {  	_ =	swait.ge [sflag:s22], $0x2780  }
0x1e: {  	[sflag:s22] =	ssyncset.done $0x0  }
0x1f: {  	[sflag:s22] =	ssyncadd.s32 $0xFFFFD880  }
0x20: {  	[bflag:$0x0] =	sbarrier.arrive $0xFFFF  }
0x21: {  	[tilespmem:s23], [sflag:$0x6] =	stream.linear.gather [hbm4b:s8+s6], $0x80, $0x38;
	[tilespmem:$0x1BE00] =	vst v63  }
0x22: {  	_ =	swait.ge [sflag:s22], $0x80  }
0x23: {  	[sflag:s22] =	ssyncset.done $0x0  }
0x24: {  	[sflag:s22] =	ssyncadd.s32 $0xFFFFFF80  }
0x25: {  	[tilespmem:s24], [sflag:$0x6] =	stream.linear.gather [hbm4b:s3+s6], $0x4000, $0x38;
	[tilespmem:$0x1BE00] =	vst v63  }
0x26: {  	_ =	swait.ge [sflag:s22], $0x4000  }
0x27: {  	[sflag:s22] =	ssyncset.done $0x0  }
0x28: {  	[sflag:s22] =	ssyncadd.s32 $0xFFFFC000  }
0x29: {  	[spmem:s4] =	stream.indirect.scatter.add.f32 [tilespmem:s24], [sflag:$0x2], $0x80, s23, s25, $0xb8;
	[tilespmem:$0x1BE00] =	vst v63  }
0x2a: {  	s9 =	rddreg [dreg:$0x7]  }
0x2b: {  	[tilespmem:s6], [sflag:$0x4] =	stream.linear.gather [hbm4b:s9+s6], $0x80, $0x38;
	[tilespmem:$0x1BE00] =	vst v63  }
0x2c: {  	_ = 	snop  }
0x2d: {  	[tilespmem:s26], [sflag:$0x6] =	stream.linear.gather [hbm4b:s8+s6], $0x80, $0x38;
	[tilespmem:$0x1BE00] =	vst v63  }
0x2e: {  	_ =	swait.ge [sflag:s22], $0x80  }
0x2f: {  	[sflag:s22] =	ssyncset.done $0x0  }
0x30: {  	[sflag:s22] =	ssyncadd.s32 $0xFFFFFF80  }
0x31: {  	[tilespmem:s28], [sflag:$0x6] =	stream.linear.gather [hbm4b:s3+s6], $0x4000, $0x38;
	[tilespmem:$0x1BE00] =	vst v63  }
0x32: {  	_ =	swait.ge [sflag:s22], $0x4000  }
0x33: {  	[sflag:s22] =	ssyncset.done $0x0  }
0x34: {  	[sflag:s22] =	ssyncadd.s32 $0xFFFFC000  }
0x35: {  	[spmem:s4] =	stream.indirect.scatter.add.f32 [tilespmem:s28], [sflag:$0x3], $0x80, s26, s25, $0xb8;
	[tilespmem:$0x1BE00] =	vst v63  }
0x36: {  	s13 =	rddreg [dreg:$0x8]  }
0x37: {  	[tilespmem:s25], [sflag:$0x5] =	stream.linear.gather [hbm4b:s13+s6], $0x80, $0x38;
	[tilespmem:$0x1BE00] =	vst v63  }
0x38: {  	_ =	swait.ge [sflag:s29], $0x80  }
0x39: {  	[sflag:s29] =	ssyncset.done $0x0  }
0x3a: {  	[sflag:s29] =	ssyncadd.s32 $0xFFFFFF80  }
0x3b: {  	_ =	swait.ge [sflag:s30], $0x4000  }
0x3c: {  	[sflag:s30] =	ssyncset.done $0x0  }
0x3d: {  	s11 =	sadd.s32 $0x0, s19;
	[sflag:s30] =	ssyncadd.s32 $0xFFFFC000  }
0x3e: {  	[tilespmem:s23], [sflag:$0x6] =	stream.linear.gather [hbm4b:s11+s6], $0x80, $0x38;
	[tilespmem:$0x1BE00] =	vst v63  }
0x3f: {  	_ =	swait.ge [sflag:s22], $0x80  }
0x40: {  	[sflag:s22] =	ssyncset.done $0x0  }
0x41: {  	[sflag:s22] =	ssyncadd.s32 $0xFFFFFF80  }
0x42: {  	[tilespmem:s24], [sflag:$0x1] =	stream.indirect.gather [hbm4b:s1+s25], $0x80, s6, s25, $0xb8;
	[tilespmem:$0x1BE00] =	vst v63  }
0x43: {  	_ =	swait.ge [sflag:s31], $0x4000  }
0x44: {  	[sflag:s31] =	ssyncset.done $0x0  }
0x45: {  	s12 =	sshrl.u32 s20, $0x3;
	[sflag:s31] =	ssyncadd.s32 $0xFFFFC000  }
0x46: {  	[spmem:s4] =	stream.indirect.scatter.add.f32 [tilespmem:s24], [sflag:$0x2], $0x80, s23, s25, $0xb8;
	[tilespmem:$0x1BE00] =	vst v63  }
0x47: {  	s9 =	sadd.s32 s2, s12  }
0x48: {  	[tilespmem:s6], [sflag:$0x4] =	stream.linear.gather [hbm4b:s9+s6], $0x80, $0x38;
	[tilespmem:$0x1BE00] =	vst v63  }
0x49: {  	_ =	swait.ge [sflag:s0], $0x80  }
0x4a: {  	[sflag:s0] =	ssyncset.done $0x0  }
0x4b: {  	[sflag:s0] =	ssyncadd.s32 $0xFFFFFF80  }
0x4c: {  	_ =	swait.ge [sflag:s5], $0x4000  }
0x4d: {  	[sflag:s5] =	ssyncset.done $0x0  }
0x4e: {  	s13 =	sadd.s32 $0x0, s17;
	[sflag:s5] =	ssyncadd.s32 $0xFFFFC000  }
0x4f: {  	[tilespmem:s26], [sflag:$0x6] =	stream.linear.gather [hbm4b:s13+s6], $0x80, $0x38;
	[tilespmem:$0x1BE00] =	vst v63  }
0x50: {  	_ =	swait.ge [sflag:s22], $0x80  }
0x51: {  	[sflag:s22] =	ssyncset.done $0x0  }
0x52: {  	[sflag:s22] =	ssyncadd.s32 $0xFFFFFF80  }
0x53: {  	[tilespmem:s28], [sflag:$0x1] =	stream.indirect.gather [hbm4b:s1+s25], $0x80, s25, s25, $0xb8;
	[tilespmem:$0x1BE00] =	vst v63  }
0x54: {  	_ =	swait.ge [sflag:s31], $0x4000  }
0x55: {  	s12 =	sadd.s32 $0x0, s18;
	[sflag:s31] =	ssyncset.done $0x0  }
0x56: {  	s11 =	simm.s32 $0x20;
	s9 =	sadd.s32 $0x100, s20;
	[sflag:s31] =	ssyncadd.s32 $0xFFFFC000  }
0x57: {  	[spmem:s4] =	stream.indirect.scatter.add.f32 [tilespmem:s28], [sflag:$0x3], $0x80, s26, s25, $0xb8;
	[tilespmem:$0x1BE00] =	vst v63  }
.LBB2_2:
0x58: {  	[tilespmem:s25], [sflag:$0x5] =	stream.linear.gather [hbm4b:s12+s6], $0x80, $0x38;
	[tilespmem:$0x1BE00] =	vst v63  }
0x59: {  	s12 =	smov.u32 s11  }
0x5a: {  	p0 =	sne.s32 s11, $0x4A0;
	s11 =	sadd.s32 $0x20, s11;
	_ =	swait.ge [sflag:s29], $0x80  }
0x5b: {  	[sflag:s29] =	ssyncset.done $0x0  }
0x5c: {  	[sflag:s29] =	ssyncadd.s32 $0xFFFFFF80  }
0x5d: {  	_ =	swait.ge [sflag:s30], $0x4000  }
0x5e: {  	[sflag:s30] =	ssyncset.done $0x0  }
0x5f: {  	s13 =	sadd.s32 s12, s19;
	[sflag:s30] =	ssyncadd.s32 $0xFFFFC000  }
0x60: {  	[tilespmem:s23], [sflag:$0x6] =	stream.linear.gather [hbm4b:s13+s6], $0x80, $0x38;
	[tilespmem:$0x1BE00] =	vst v63  }
0x61: {  	_ =	swait.ge [sflag:s22], $0x80  }
0x62: {  	[sflag:s22] =	ssyncset.done $0x0  }
0x63: {  	[sflag:s22] =	ssyncadd.s32 $0xFFFFFF80  }
0x64: {  	[tilespmem:s24], [sflag:$0x1] =	stream.indirect.gather [hbm4b:s1+s25], $0x80, s6, s25, $0xb8;
	[tilespmem:$0x1BE00] =	vst v63  }
0x65: {  	_ =	swait.ge [sflag:s31], $0x4000  }
0x66: {  	[sflag:s31] =	ssyncset.done $0x0  }
0x67: {  	s13 =	sshrl.u32 s9, $0x3;
	[sflag:s31] =	ssyncadd.s32 $0xFFFFC000  }
0x68: {  	[spmem:s4] =	stream.indirect.scatter.add.f32 [tilespmem:s24], [sflag:$0x2], $0x80, s23, s25, $0xb8;
	[tilespmem:$0x1BE00] =	vst v63  }
0x69: {  	s13 =	sadd.s32 s2, s13  }
0x6a: {  	[tilespmem:s6], [sflag:$0x4] =	stream.linear.gather [hbm4b:s13+s6], $0x80, $0x38;
	[tilespmem:$0x1BE00] =	vst v63  }
0x6b: {  	_ =	swait.ge [sflag:s0], $0x80  }
0x6c: {  	[sflag:s0] =	ssyncset.done $0x0  }
0x6d: {  	[sflag:s0] =	ssyncadd.s32 $0xFFFFFF80  }
0x6e: {  	_ =	swait.ge [sflag:s5], $0x4000  }
0x6f: {  	[sflag:s5] =	ssyncset.done $0x0  }
0x70: {  	s13 =	sadd.s32 s12, s17;
	[sflag:s5] =	ssyncadd.s32 $0xFFFFC000  }
0x71: {  	[tilespmem:s26], [sflag:$0x6] =	stream.linear.gather [hbm4b:s13+s6], $0x80, $0x38;
	[tilespmem:$0x1BE00] =	vst v63  }
0x72: {  	_ =	swait.ge [sflag:s22], $0x80  }
0x73: {  	[sflag:s22] =	ssyncset.done $0x0  }
0x74: {  	[sflag:s22] =	ssyncadd.s32 $0xFFFFFF80  }
0x75: {  	[tilespmem:s28], [sflag:$0x1] =	stream.indirect.gather [hbm4b:s1+s25], $0x80, s25, s25, $0xb8;
	[tilespmem:$0x1BE00] =	vst v63  }
.Ltmp0:
0x76: {  	_ =	swait.ge [sflag:s31], $0x4000;
	(pc) =	sbr.rel @p0 .LBB2_2-.Ltmp0, $4  }
0x77: {  	[sflag:s31] =	ssyncset.done $0x0  }
0x78: {  	[sflag:s31] =	ssyncadd.s32 $0xFFFFC000  }
0x79: {  	[spmem:s4] =	stream.indirect.scatter.add.f32 [tilespmem:s28], [sflag:$0x3], $0x80, s26, s25, $0xb8;
	[tilespmem:$0x1BE00] =	vst v63  }
0x7a: {  	s9 =	sadd.s32 $0x100, s9;
	s12 =	sadd.s32 s12, s18  }
0x7b: {  	[tilespmem:s25], [sflag:$0x5] =	stream.linear.gather [hbm4b:s12+s6], $0x80, $0x38;
	[tilespmem:$0x1BE00] =	vst v63  }
0x7c: {  	_ =	swait.ge [sflag:s29], $0x80  }
0x7d: {  	[sflag:s29] =	ssyncset.done $0x0  }
0x7e: {  	[sflag:s29] =	ssyncadd.s32 $0xFFFFFF80  }
0x7f: {  	_ =	swait.ge [sflag:s30], $0x4000  }
0x80: {  	[sflag:s30] =	ssyncset.done $0x0  }
0x81: {  	[sflag:s30] =	ssyncadd.s32 $0xFFFFC000  }
0x82: {  	[tilespmem:s23], [sflag:$0x6] =	stream.linear.gather [hbm4b:s14+s6], $0x80, $0x38;
	[tilespmem:$0x1BE00] =	vst v63  }
0x83: {  	_ =	swait.ge [sflag:s22], $0x80  }
0x84: {  	[sflag:s22] =	ssyncset.done $0x0  }
0x85: {  	[sflag:s22] =	ssyncadd.s32 $0xFFFFFF80  }
0x86: {  	[tilespmem:s24], [sflag:$0x1] =	stream.indirect.gather [hbm4b:s1+s25], $0x80, s6, s25, $0xb8;
	[tilespmem:$0x1BE00] =	vst v63  }
0x87: {  	_ =	swait.ge [sflag:s31], $0x4000  }
0x88: {  	[sflag:s31] =	ssyncset.done $0x0  }
0x89: {  	[sflag:s31] =	ssyncadd.s32 $0xFFFFC000  }
0x8a: {  	[spmem:s4] =	stream.indirect.scatter.add.f32 [tilespmem:s24], [sflag:$0x2], $0x80, s23, s25, $0xb8;
	[tilespmem:$0x1BE00] =	vst v63  }
0x8b: {  	_ = 	snop  }
0x8c: {  	[tilespmem:s6], [sflag:$0x4] =	stream.linear.gather [hbm4b:s15+s6], $0x80, $0x38;
	[tilespmem:$0x1BE00] =	vst v63  }
0x8d: {  	_ =	swait.ge [sflag:s0], $0x80  }
0x8e: {  	[sflag:s0] =	ssyncset.done $0x0  }
0x8f: {  	[sflag:s0] =	ssyncadd.s32 $0xFFFFFF80  }
0x90: {  	_ =	swait.ge [sflag:s5], $0x4000  }
0x91: {  	[sflag:s5] =	ssyncset.done $0x0  }
0x92: {  	[sflag:s5] =	ssyncadd.s32 $0xFFFFC000  }
0x93: {  	[tilespmem:s26], [sflag:$0x6] =	stream.linear.gather [hbm4b:s16+s6], $0x80, $0x38;
	[tilespmem:$0x1BE00] =	vst v63  }
0x94: {  	_ =	swait.ge [sflag:s22], $0x80  }
0x95: {  	[sflag:s22] =	ssyncset.done $0x0  }
0x96: {  	[sflag:s22] =	ssyncadd.s32 $0xFFFFFF80  }
0x97: {  	[tilespmem:s28], [sflag:$0x1] =	stream.indirect.gather [hbm4b:s1+s25], $0x80, s25, s25, $0xb8;
	[tilespmem:$0x1BE00] =	vst v63  }
0x98: {  	_ =	swait.ge [sflag:s31], $0x4000  }
0x99: {  	[sflag:s31] =	ssyncset.done $0x0  }
0x9a: {  	[sflag:s31] =	ssyncadd.s32 $0xFFFFC000  }
0x9b: {  	[spmem:s4] =	stream.indirect.scatter.add.f32 [tilespmem:s28], [sflag:$0x3], $0x80, s26, s25, $0xb8;
	[tilespmem:$0x1BE00] =	vst v63  }
0x9c: {  	_ =	swait.ge [sflag:s29], $0x80  }
0x9d: {  	[sflag:s29] =	ssyncset.done $0x0  }
0x9e: {  	[sflag:s29] =	ssyncadd.s32 $0xFFFFFF80  }
0x9f: {  	_ =	swait.ge [sflag:s30], $0x4000  }
0xa0: {  	[sflag:s30] =	ssyncset.done $0x0  }
0xa1: {  	s9 =	rddreg [dreg:$0x9];
	[sflag:s30] =	ssyncadd.s32 $0xFFFFC000  }
0xa2: {  	[tilespmem:s23], [sflag:$0x6] =	stream.linear.gather [hbm4b:s9+s6], $0x80, $0x38;
	[tilespmem:$0x1BE00] =	vst v63  }
0xa3: {  	_ =	swait.ge [sflag:s22], $0x80  }
0xa4: {  	[sflag:s22] =	ssyncset.done $0x0  }
0xa5: {  	[sflag:s22] =	ssyncadd.s32 $0xFFFFFF80  }
0xa6: {  	[tilespmem:s24], [sflag:$0x1] =	stream.indirect.gather [hbm4b:s1+s25], $0x80, s6, s25, $0xb8;
	[tilespmem:$0x1BE00] =	vst v63  }
0xa7: {  	_ =	swait.ge [sflag:s31], $0x4000  }
0xa8: {  	[sflag:s31] =	ssyncset.done $0x0  }
0xa9: {  	[sflag:s31] =	ssyncadd.s32 $0xFFFFC000  }
0xaa: {  	[spmem:s4] =	stream.indirect.scatter.add.f32 [tilespmem:s24], [sflag:$0x2], $0x80, s23, s25, $0xb8;
	[tilespmem:$0x1BE00] =	vst v63  }
0xab: {  	_ =	swait.ge [sflag:s30], $0x4000  }
0xac: {  	[sflag:s30] =	ssyncset.done $0x0  }
0xad: {  	[sflag:s30] =	ssyncadd.s32 $0xFFFFC000  }
0xae: {  	_ =	swait.ge [sflag:s5], $0x4000  }
0xaf: {  	[sflag:s5] =	ssyncset.done $0x0  }
0xb0: {  	[sflag:s5] =	ssyncadd.s32 $0xFFFFC000  }
0xb1: {  	[bflag:$0x0] =	sbarrier.arrive $0xFFFF  }
0xb2: {  	s12 =	rddreg [dreg:$0xa]  }
0xb3: {  	[hbm:s12], [sflag:s7] =	dma.local [spmem:s21], $0x2780  }
0xb4: {  	_ =	swait.ge [sflag:s22], $0x2780  }
0xb5: {  	s10 =	sadd.s32 $0x1, s10;
	s13 =	rddreg [dreg:$0xb]  }
0xb6: {  	p0 =	sne.s32 s10, s13  }
.Ltmp1:
0xb7: {  	_ = 	snop;
	(pc) =	sbr.rel @p0 .LBB2_1-.Ltmp1, $3  }
0xb8: {  	_ =	sdelay $0x1  }
0xb9: {  	[sflag:s22] =	ssyncset.done $0x0  }
0xba: {  	[sflag:s22] =	ssyncadd.s32 $0xFFFFD880  }
0xbb: {  	_ =	sfence.sel $0x180000  }
0xbc: {  	[bflag:$0x0] =	sbarrier.arrive $0xFFFF  }
0xbd: {  	_ =	strace $0x90000047  }
0xbe: {  	s0 =	stileid.u32;
	[bflag:$0x2] =	sbarrier.arrive $0xFFFF  }
0xbf: {  	p0 =	sne.s32 s0, $0x0;
	s0 =	rddreg [dreg:$0x6]  }
0xc0: {  	s0 =	sadd.s32 @!p0 $0x100000, s0  }
0xc1: {  	[sflag:s0] =	ssyncadd.tile.s32 @!p0 $0x1;
	_ =	shalt  }
.Lfunc_end2:
_tile_overlayer_lowered:
.L_overlay_start_2:
0xc2: {  	(tag) =	ssettag $0x2  }
0xc3: {  	s0 =	rddreg [dreg:$0x0];
	s2 =	stileid.u32  }
0xc4: {  	s1 =	rddreg [dreg:$0x1];
	p0 =	sne.s32 s2, $0x0  }
0xc5: {  	s3 =	rddreg [dreg:$0x2];
	[bflag:$0x3] =	sbarrier.arrive $0xFFFF;
	s2 =	simm.s32 @!p0 $0x1C06  }
0xc6: {  	[timem:s3], [sflag:s2] =	dma.local @!p0 [hbm:s0], s1  }
0xc7: {  	s0 =	simm.s32 @!p0 $0x6  }
0xc8: {  	_ =	swait.ge @!p0 [sflag:s0], s1  }
0xc9: {  	s1 =	ssub.s32 @!p0 $0x0, s1;
	[sflag:s0] =	ssyncset.done @!p0 $0x0  }
0xca: {  	[sflag:s0] =	ssyncadd.s32 @!p0 s1  }
0xcb: {  	[bflag:$0x3] =	sbarrier.arrive $0xFFFF  }
0xcc: {  	_ =	shalt  }

</sc_bundles>
